<compile_context>
chip_gen: v7x
topology: tpu7x:2x2x1
jax: 0.10.2.dev20260603
libtpu: 0.0.44.dev20260713+nightly
codegen_flags: <defaults>
</compile_context>

<pallas_src>
import functools

import jax
import jax.numpy as jnp
from jax import lax
from jax.experimental import pallas as pl
from jax.experimental.pallas import tpu as pltpu
from jax.experimental.pallas import tpu_sc as plsc

VOCAB = 32768
HIDDEN = 4096
NTOK = 2 * 8192

NC = 2
NS = 16
NW = NC * NS
PER_W = NTOK // NW
CH = 4
NCH = PER_W // CH
NBUF = 4
K = 2


def _embed(idx_hbm, table_hbm, out_hbm, idx_v, buf_v, *sems):
    gs = sems[:NBUF]
    ws = sems[NBUF:]
    wid = lax.axis_index("s") * NC + lax.axis_index("c")
    base = wid * PER_W
    pltpu.sync_copy(idx_hbm.at[wid], idx_v)
    for c in range(K):
        pltpu.async_copy(table_hbm.at[idx_v.at[c]], buf_v.at[c], gs[c])

    def group(i, carry):
        g = i * NBUF
        for b in range(NBUF):
            c = g + b
            pltpu.make_async_copy(
                table_hbm.at[idx_v.at[c]], buf_v.at[b], gs[b]).wait()
            b2 = (b + K) % NBUF

            @pl.when(c + K < NCH)
            def _():
                pltpu.async_copy(
                    table_hbm.at[idx_v.at[c + K]], buf_v.at[b2], gs[b2])
        return carry

    lax.fori_loop(0, NCH // NBUF, group, 0)
    pltpu.sync_copy(buf_v.at[0], out_hbm.at[pl.ds(base, CH)])


@jax.jit
def kernel(tokens, table):
    idx = tokens.astype(jnp.int32).reshape(NW, NCH, CH)
    mesh = plsc.VectorSubcoreMesh(core_axis_name="c", subcore_axis_name="s")
    emb = functools.partial(
        pl.kernel,
        mesh=mesh,
        out_type=jax.ShapeDtypeStruct((NTOK, HIDDEN), jnp.float32),
        scratch_types=[
            pltpu.VMEM((NCH, CH), jnp.int32),
            pltpu.VMEM((NBUF, CH, HIDDEN), jnp.float32),
        ] + [pltpu.SemaphoreType.DMA] * (2 * NBUF),
    )(_embed)
    out = emb(idx, table)
    return out.reshape(2, 8192, HIDDEN)

# --- scband reference (transcript-rebuilt; emitter-appended) ---
"""Pipeline reference for scband-token-embedder-57303453663831 (READ-ONLY COPY).

The authoritative reference and input builder live on the scoring server;
editing this copy changes nothing except your own understanding.
"""

import jax, jax.numpy as jnp
import numpy as np

VOCAB = 32768
HIDDEN = 4096
B = 2
S = 8192

def setup_inputs(seed: int = 0) -> dict:
    key = jax.random.key(seed)
    k1, k2 = jax.random.split(key)
    tokens = jax.random.randint(k1, (B, S), 0, VOCAB, dtype=jnp.int64 if jax.config.jax_enable_x64 else jnp.int32)
    # hidden_size > 768 -> xavier_uniform init of the embedding table
    bound = float(np.sqrt(6.0 / (VOCAB + HIDDEN)))
    table = jax.random.uniform(k2, (VOCAB, HIDDEN), minval=-bound, maxval=bound, dtype=jnp.float32)
    return {"tokens": tokens, "table": table}

def reference(tokens, table):
    # TokenEmbedder.forward embeds each tensor in token_dict; here token_dict = {"tokens": tokens}
    # nn.Embedding lookup == row gather from the table
    tokens = tokens.astype(jnp.int32)
    out = jnp.take(table, tokens, axis=0)  # [B, S, HIDDEN]
    return out

if __name__ == "__main__":
    import jax
    _d = setup_inputs()
    print(jax.jit(kernel)(*tuple(_d.values())))

</pallas_src>

<mosaic_0001>
#map = affine_map<(d0, d1) -> (0, 0, 0)>
#map1 = affine_map<(d0, d1) -> (0, 0)>
module attributes {stable_mosaic.version = 14 : i64} {
  func.func @_embed(%arg0: i32, %arg1: i32, %arg2: memref<32x128x4xi32, #tpu.memory_space<hbm>>, %arg3: memref<32768x4096xf32, #tpu.memory_space<hbm>>, %arg4: memref<16384x4096xf32, #tpu.memory_space<hbm>>, %arg5: memref<128x4xi32, #tpu.memory_space<vmem>>, %arg6: memref<4x4x4096xf32, #tpu.memory_space<vmem>>, %arg7: memref<!tpu.dma_semaphore, #tpu.memory_space<semaphore_mem>>, %arg8: memref<!tpu.dma_semaphore, #tpu.memory_space<semaphore_mem>>, %arg9: memref<!tpu.dma_semaphore, #tpu.memory_space<semaphore_mem>>, %arg10: memref<!tpu.dma_semaphore, #tpu.memory_space<semaphore_mem>>, %arg11: memref<!tpu.dma_semaphore, #tpu.memory_space<semaphore_mem>>, %arg12: memref<!tpu.dma_semaphore, #tpu.memory_space<semaphore_mem>>, %arg13: memref<!tpu.dma_semaphore, #tpu.memory_space<semaphore_mem>>, %arg14: memref<!tpu.dma_semaphore, #tpu.memory_space<semaphore_mem>>) attributes {dimension_semantics = [#tpu.dimension_semantics<core_parallel>, #tpu.dimension_semantics<subcore_parallel>], iteration_bounds = array<i64: 2, 16>, scalar_prefetch = 0 : i64, scratch_operands = 10 : i64, tpu.core_type = #tpu.core_type<sc_vector_subcore>, window_params = [{transform_indices = #map}, {transform_indices = #map1}, {transform_indices = #map1}]} {
    %mul3A = arith.constant 2 : i32
    %mul3A_0 = arith.muli %arg1, %mul3A : i32
    %add3A = arith.addi %mul3A_0, %arg0 : i32
    %mul3A_1 = arith.constant 512 : i32
    %mul3A_2 = arith.muli %add3A, %mul3A_1 : i32
    "tpu.region"() ({
      %run_scoped3A_31 = tpu.sem_alloc : memref<!tpu.dma_semaphore, #tpu.memory_space<semaphore_mem>>
      %dma_start3A_32 = arith.constant 0 : i32
      %dma_start3A_33 = arith.constant 0 : i32
      %dma_start3A_34 = tpu.memref_slice %arg2[%add3A, %dma_start3A_32, %dma_start3A_33] : memref<32x128x4xi32, #tpu.memory_space<hbm>> -> memref<1x128x4xi32, #tpu.memory_space<hbm>>
      %dma_start3A_35 = tpu.memref_squeeze %dma_start3A_34 : memref<1x128x4xi32, #tpu.memory_space<hbm>> -> memref<128x4xi32, #tpu.memory_space<hbm>>
      %dma_start3A_36 = arith.constant 0 : i32
      %dma_start3A_37 = arith.constant 0 : i32
      %dma_start3A_38 = tpu.memref_slice %arg2[%add3A, %dma_start3A_36, %dma_start3A_37] : memref<32x128x4xi32, #tpu.memory_space<hbm>> -> memref<1x128x4xi32, #tpu.memory_space<hbm>>
      %dma_start3A_39 = tpu.memref_squeeze %dma_start3A_38 : memref<1x128x4xi32, #tpu.memory_space<hbm>> -> memref<128x4xi32, #tpu.memory_space<hbm>>
      tpu.enqueue_dma source(%dma_start3A_39 : memref<128x4xi32, #tpu.memory_space<hbm>>) target(%arg5 : memref<128x4xi32, #tpu.memory_space<vmem>>) target_semaphore(%run_scoped3A_31 : memref<!tpu.dma_semaphore, #tpu.memory_space<semaphore_mem>>)
      %dma_wait3A = arith.constant 0 : i32
      %dma_wait3A_40 = arith.constant 0 : i32
      %dma_wait3A_41 = tpu.memref_slice %arg2[%add3A, %dma_wait3A, %dma_wait3A_40] : memref<32x128x4xi32, #tpu.memory_space<hbm>> -> memref<1x128x4xi32, #tpu.memory_space<hbm>>
      %dma_wait3A_42 = tpu.memref_squeeze %dma_wait3A_41 : memref<1x128x4xi32, #tpu.memory_space<hbm>> -> memref<128x4xi32, #tpu.memory_space<hbm>>
      %dma_wait3A_43 = arith.constant 0 : i32
      %dma_wait3A_44 = arith.constant 0 : i32
      %dma_wait3A_45 = tpu.memref_slice %arg2[%add3A, %dma_wait3A_43, %dma_wait3A_44] : memref<32x128x4xi32, #tpu.memory_space<hbm>> -> memref<1x128x4xi32, #tpu.memory_space<hbm>>
      %dma_wait3A_46 = tpu.memref_squeeze %dma_wait3A_45 : memref<1x128x4xi32, #tpu.memory_space<hbm>> -> memref<128x4xi32, #tpu.memory_space<hbm>>
      tpu.wait_dma2 semaphore(%run_scoped3A_31 : memref<!tpu.dma_semaphore, #tpu.memory_space<semaphore_mem>>) src(%dma_wait3A_46 : memref<128x4xi32, #tpu.memory_space<hbm>>) dst(%arg5 : memref<128x4xi32, #tpu.memory_space<vmem>>)
      tpu.yield
    }) : () -> ()
    %dma_start3A = arith.constant 0 : i32
    %dma_start3A_3 = arith.constant 0 : i32
    %dma_start3A_4 = arith.constant 0 : i32
    %dma_start3A_5 = arith.constant 0 : i32
    %dma_start3A_6 = tpu.memref_slice %arg6[%dma_start3A_3, %dma_start3A_4, %dma_start3A_5] : memref<4x4x4096xf32, #tpu.memory_space<vmem>> -> memref<1x4x4096xf32, #tpu.memory_space<vmem>>
    %dma_start3A_7 = tpu.memref_squeeze %dma_start3A_6 : memref<1x4x4096xf32, #tpu.memory_space<vmem>> -> memref<4x4096xf32, #tpu.memory_space<vmem>>
    %dma_start3A_8 = arith.constant 0 : i32
    %dma_start3A_9 = tpu.memref_slice %arg5[%dma_start3A, %dma_start3A_8] : memref<128x4xi32, #tpu.memory_space<vmem>> -> memref<1x4xi32, #tpu.memory_space<vmem>>
    %dma_start3A_10 = tpu.memref_squeeze %dma_start3A_9 : memref<1x4xi32, #tpu.memory_space<vmem>> -> memref<4xi32, #tpu.memory_space<vmem>>
    %dma_start3A_11 = arith.constant 0 : i32
    %dma_start3A_12 = arith.constant 0 : i32
    %dma_start3A_13 = tpu.memref_slice %arg3[%dma_start3A_11, %dma_start3A_12] : memref<32768x4096xf32, #tpu.memory_space<hbm>> -> memref<32768x4096xf32, #tpu.memory_space<hbm>>
    tpu.enqueue_indirect_dma source(%dma_start3A_13 : memref<32768x4096xf32, #tpu.memory_space<hbm>>) target(%dma_start3A_7 : memref<4x4096xf32, #tpu.memory_space<vmem>>) offsets(%dma_start3A_10 : memref<4xi32, #tpu.memory_space<vmem>>) semaphore(%arg7 : memref<!tpu.dma_semaphore, #tpu.memory_space<semaphore_mem>>)
    %dma_start3A_14 = arith.constant 1 : i32
    %dma_start3A_15 = arith.constant 1 : i32
    %dma_start3A_16 = arith.constant 0 : i32
    %dma_start3A_17 = arith.constant 0 : i32
    %dma_start3A_18 = tpu.memref_slice %arg6[%dma_start3A_15, %dma_start3A_16, %dma_start3A_17] : memref<4x4x4096xf32, #tpu.memory_space<vmem>> -> memref<1x4x4096xf32, #tpu.memory_space<vmem>>
    %dma_start3A_19 = tpu.memref_squeeze %dma_start3A_18 : memref<1x4x4096xf32, #tpu.memory_space<vmem>> -> memref<4x4096xf32, #tpu.memory_space<vmem>>
    %dma_start3A_20 = arith.constant 0 : i32
    %dma_start3A_21 = tpu.memref_slice %arg5[%dma_start3A_14, %dma_start3A_20] : memref<128x4xi32, #tpu.memory_space<vmem>> -> memref<1x4xi32, #tpu.memory_space<vmem>>
    %dma_start3A_22 = tpu.memref_squeeze %dma_start3A_21 : memref<1x4xi32, #tpu.memory_space<vmem>> -> memref<4xi32, #tpu.memory_space<vmem>>
    %dma_start3A_23 = arith.constant 0 : i32
    %dma_start3A_24 = arith.constant 0 : i32
    %dma_start3A_25 = tpu.memref_slice %arg3[%dma_start3A_23, %dma_start3A_24] : memref<32768x4096xf32, #tpu.memory_space<hbm>> -> memref<32768x4096xf32, #tpu.memory_space<hbm>>
    tpu.enqueue_indirect_dma source(%dma_start3A_25 : memref<32768x4096xf32, #tpu.memory_space<hbm>>) target(%dma_start3A_19 : memref<4x4096xf32, #tpu.memory_space<vmem>>) offsets(%dma_start3A_22 : memref<4xi32, #tpu.memory_space<vmem>>) semaphore(%arg8 : memref<!tpu.dma_semaphore, #tpu.memory_space<semaphore_mem>>)
    %scan3A = arith.constant 0 : i32
    %scan3A_26 = arith.constant 0 : i32
    %scan3A_27 = arith.constant 32 : i32
    %scan3A_28 = arith.addi %scan3A_26, %scan3A_27 : i32
    %scan3A_29 = arith.constant 1 : i32
    scf.for %scan3A_31 = %scan3A_26 to %scan3A_28 step %scan3A_29  : i32 {
      %mul3A_32 = arith.constant 4 : i32
      %mul3A_33 = arith.muli %scan3A_31, %mul3A_32 : i32
      %add3A_34 = arith.constant 0 : i32
      %add3A_35 = arith.addi %mul3A_33, %add3A_34 : i32
      %dma_wait3A = arith.constant 0 : i32
      %dma_wait3A_36 = arith.constant 0 : i32
      %dma_wait3A_37 = arith.constant 0 : i32
      %dma_wait3A_38 = tpu.memref_slice %arg6[%dma_wait3A, %dma_wait3A_36, %dma_wait3A_37] : memref<4x4x4096xf32, #tpu.memory_space<vmem>> -> memref<1x4x4096xf32, #tpu.memory_space<vmem>>
      %dma_wait3A_39 = tpu.memref_squeeze %dma_wait3A_38 : memref<1x4x4096xf32, #tpu.memory_space<vmem>> -> memref<4x4096xf32, #tpu.memory_space<vmem>>
      %dma_wait3A_40 = arith.constant 0 : i32
      %dma_wait3A_41 = tpu.memref_slice %arg5[%add3A_35, %dma_wait3A_40] : memref<128x4xi32, #tpu.memory_space<vmem>> -> memref<1x4xi32, #tpu.memory_space<vmem>>
      %dma_wait3A_42 = tpu.memref_squeeze %dma_wait3A_41 : memref<1x4xi32, #tpu.memory_space<vmem>> -> memref<4xi32, #tpu.memory_space<vmem>>
      %dma_wait3A_43 = arith.constant 0 : i32
      %dma_wait3A_44 = arith.constant 0 : i32
      %dma_wait3A_45 = tpu.memref_slice %arg3[%dma_wait3A_43, %dma_wait3A_44] : memref<32768x4096xf32, #tpu.memory_space<hbm>> -> memref<32768x4096xf32, #tpu.memory_space<hbm>>
      tpu.wait_indirect_dma semaphore(%arg7 : memref<!tpu.dma_semaphore, #tpu.memory_space<semaphore_mem>>) src(%dma_wait3A_45 : memref<32768x4096xf32, #tpu.memory_space<hbm>>) dst(%dma_wait3A_39 : memref<4x4096xf32, #tpu.memory_space<vmem>>)
      %add3A_46 = arith.constant 2 : i32
      %add3A_47 = arith.addi %add3A_35, %add3A_46 : i32
      %lt3A = arith.constant 128 : i32
      %lt3A_48 = arith.cmpi slt, %add3A_47, %lt3A : i32
      %convert_element_type3A = arith.extui %lt3A_48 : i1 to i32
      %cond3A = arith.constant 0 : i32
      %cond3A_49 = arith.cmpi ne, %convert_element_type3A, %cond3A : i32
      scf.if %cond3A_49 {
        %add3A_110 = arith.constant 2 : i32
        %add3A_111 = arith.addi %add3A_35, %add3A_110 : i32
        %dma_start3A_112 = arith.constant 2 : i32
        %dma_start3A_113 = arith.constant 0 : i32
        %dma_start3A_114 = arith.constant 0 : i32
        %dma_start3A_115 = tpu.memref_slice %arg6[%dma_start3A_112, %dma_start3A_113, %dma_start3A_114] : memref<4x4x4096xf32, #tpu.memory_space<vmem>> -> memref<1x4x4096xf32, #tpu.memory_space<vmem>>
        %dma_start3A_116 = tpu.memref_squeeze %dma_start3A_115 : memref<1x4x4096xf32, #tpu.memory_space<vmem>> -> memref<4x4096xf32, #tpu.memory_space<vmem>>
        %dma_start3A_117 = arith.constant 0 : i32
        %dma_start3A_118 = tpu.memref_slice %arg5[%add3A_111, %dma_start3A_117] : memref<128x4xi32, #tpu.memory_space<vmem>> -> memref<1x4xi32, #tpu.memory_space<vmem>>
        %dma_start3A_119 = tpu.memref_squeeze %dma_start3A_118 : memref<1x4xi32, #tpu.memory_space<vmem>> -> memref<4xi32, #tpu.memory_space<vmem>>
        %dma_start3A_120 = arith.constant 0 : i32
        %dma_start3A_121 = arith.constant 0 : i32
        %dma_start3A_122 = tpu.memref_slice %arg3[%dma_start3A_120, %dma_start3A_121] : memref<32768x4096xf32, #tpu.memory_space<hbm>> -> memref<32768x4096xf32, #tpu.memory_space<hbm>>
        tpu.enqueue_indirect_dma source(%dma_start3A_122 : memref<32768x4096xf32, #tpu.memory_space<hbm>>) target(%dma_start3A_116 : memref<4x4096xf32, #tpu.memory_space<vmem>>) offsets(%dma_start3A_119 : memref<4xi32, #tpu.memory_space<vmem>>) semaphore(%arg9 : memref<!tpu.dma_semaphore, #tpu.memory_space<semaphore_mem>>)
      } else {
      }
      %add3A_50 = arith.constant 1 : i32
      %add3A_51 = arith.addi %mul3A_33, %add3A_50 : i32
      %dma_wait3A_52 = arith.constant 1 : i32
      %dma_wait3A_53 = arith.constant 0 : i32
      %dma_wait3A_54 = arith.constant 0 : i32
      %dma_wait3A_55 = tpu.memref_slice %arg6[%dma_wait3A_52, %dma_wait3A_53, %dma_wait3A_54] : memref<4x4x4096xf32, #tpu.memory_space<vmem>> -> memref<1x4x4096xf32, #tpu.memory_space<vmem>>
      %dma_wait3A_56 = tpu.memref_squeeze %dma_wait3A_55 : memref<1x4x4096xf32, #tpu.memory_space<vmem>> -> memref<4x4096xf32, #tpu.memory_space<vmem>>
      %dma_wait3A_57 = arith.constant 0 : i32
      %dma_wait3A_58 = tpu.memref_slice %arg5[%add3A_51, %dma_wait3A_57] : memref<128x4xi32, #tpu.memory_space<vmem>> -> memref<1x4xi32, #tpu.memory_space<vmem>>
      %dma_wait3A_59 = tpu.memref_squeeze %dma_wait3A_58 : memref<1x4xi32, #tpu.memory_space<vmem>> -> memref<4xi32, #tpu.memory_space<vmem>>
      %dma_wait3A_60 = arith.constant 0 : i32
      %dma_wait3A_61 = arith.constant 0 : i32
      %dma_wait3A_62 = tpu.memref_slice %arg3[%dma_wait3A_60, %dma_wait3A_61] : memref<32768x4096xf32, #tpu.memory_space<hbm>> -> memref<32768x4096xf32, #tpu.memory_space<hbm>>
      tpu.wait_indirect_dma semaphore(%arg8 : memref<!tpu.dma_semaphore, #tpu.memory_space<semaphore_mem>>) src(%dma_wait3A_62 : memref<32768x4096xf32, #tpu.memory_space<hbm>>) dst(%dma_wait3A_56 : memref<4x4096xf32, #tpu.memory_space<vmem>>)
      %add3A_63 = arith.constant 2 : i32
      %add3A_64 = arith.addi %add3A_51, %add3A_63 : i32
      %lt3A_65 = arith.constant 128 : i32
      %lt3A_66 = arith.cmpi slt, %add3A_64, %lt3A_65 : i32
      %convert_element_type3A_67 = arith.extui %lt3A_66 : i1 to i32
      %cond3A_68 = arith.constant 0 : i32
      %cond3A_69 = arith.cmpi ne, %convert_element_type3A_67, %cond3A_68 : i32
      scf.if %cond3A_69 {
        %add3A_110 = arith.constant 2 : i32
        %add3A_111 = arith.addi %add3A_51, %add3A_110 : i32
        %dma_start3A_112 = arith.constant 3 : i32
        %dma_start3A_113 = arith.constant 0 : i32
        %dma_start3A_114 = arith.constant 0 : i32
        %dma_start3A_115 = tpu.memref_slice %arg6[%dma_start3A_112, %dma_start3A_113, %dma_start3A_114] : memref<4x4x4096xf32, #tpu.memory_space<vmem>> -> memref<1x4x4096xf32, #tpu.memory_space<vmem>>
        %dma_start3A_116 = tpu.memref_squeeze %dma_start3A_115 : memref<1x4x4096xf32, #tpu.memory_space<vmem>> -> memref<4x4096xf32, #tpu.memory_space<vmem>>
        %dma_start3A_117 = arith.constant 0 : i32
        %dma_start3A_118 = tpu.memref_slice %arg5[%add3A_111, %dma_start3A_117] : memref<128x4xi32, #tpu.memory_space<vmem>> -> memref<1x4xi32, #tpu.memory_space<vmem>>
        %dma_start3A_119 = tpu.memref_squeeze %dma_start3A_118 : memref<1x4xi32, #tpu.memory_space<vmem>> -> memref<4xi32, #tpu.memory_space<vmem>>
        %dma_start3A_120 = arith.constant 0 : i32
        %dma_start3A_121 = arith.constant 0 : i32
        %dma_start3A_122 = tpu.memref_slice %arg3[%dma_start3A_120, %dma_start3A_121] : memref<32768x4096xf32, #tpu.memory_space<hbm>> -> memref<32768x4096xf32, #tpu.memory_space<hbm>>
        tpu.enqueue_indirect_dma source(%dma_start3A_122 : memref<32768x4096xf32, #tpu.memory_space<hbm>>) target(%dma_start3A_116 : memref<4x4096xf32, #tpu.memory_space<vmem>>) offsets(%dma_start3A_119 : memref<4xi32, #tpu.memory_space<vmem>>) semaphore(%arg10 : memref<!tpu.dma_semaphore, #tpu.memory_space<semaphore_mem>>)
      } else {
      }
      %add3A_70 = arith.constant 2 : i32
      %add3A_71 = arith.addi %mul3A_33, %add3A_70 : i32
      %dma_wait3A_72 = arith.constant 2 : i32
      %dma_wait3A_73 = arith.constant 0 : i32
      %dma_wait3A_74 = arith.constant 0 : i32
      %dma_wait3A_75 = tpu.memref_slice %arg6[%dma_wait3A_72, %dma_wait3A_73, %dma_wait3A_74] : memref<4x4x4096xf32, #tpu.memory_space<vmem>> -> memref<1x4x4096xf32, #tpu.memory_space<vmem>>
      %dma_wait3A_76 = tpu.memref_squeeze %dma_wait3A_75 : memref<1x4x4096xf32, #tpu.memory_space<vmem>> -> memref<4x4096xf32, #tpu.memory_space<vmem>>
      %dma_wait3A_77 = arith.constant 0 : i32
      %dma_wait3A_78 = tpu.memref_slice %arg5[%add3A_71, %dma_wait3A_77] : memref<128x4xi32, #tpu.memory_space<vmem>> -> memref<1x4xi32, #tpu.memory_space<vmem>>
      %dma_wait3A_79 = tpu.memref_squeeze %dma_wait3A_78 : memref<1x4xi32, #tpu.memory_space<vmem>> -> memref<4xi32, #tpu.memory_space<vmem>>
      %dma_wait3A_80 = arith.constant 0 : i32
      %dma_wait3A_81 = arith.constant 0 : i32
      %dma_wait3A_82 = tpu.memref_slice %arg3[%dma_wait3A_80, %dma_wait3A_81] : memref<32768x4096xf32, #tpu.memory_space<hbm>> -> memref<32768x4096xf32, #tpu.memory_space<hbm>>
      tpu.wait_indirect_dma semaphore(%arg9 : memref<!tpu.dma_semaphore, #tpu.memory_space<semaphore_mem>>) src(%dma_wait3A_82 : memref<32768x4096xf32, #tpu.memory_space<hbm>>) dst(%dma_wait3A_76 : memref<4x4096xf32, #tpu.memory_space<vmem>>)
      %add3A_83 = arith.constant 2 : i32
      %add3A_84 = arith.addi %add3A_71, %add3A_83 : i32
      %lt3A_85 = arith.constant 128 : i32
      %lt3A_86 = arith.cmpi slt, %add3A_84, %lt3A_85 : i32
      %convert_element_type3A_87 = arith.extui %lt3A_86 : i1 to i32
      %cond3A_88 = arith.constant 0 : i32
      %cond3A_89 = arith.cmpi ne, %convert_element_type3A_87, %cond3A_88 : i32
      scf.if %cond3A_89 {
        %add3A_110 = arith.constant 2 : i32
        %add3A_111 = arith.addi %add3A_71, %add3A_110 : i32
        %dma_start3A_112 = arith.constant 0 : i32
        %dma_start3A_113 = arith.constant 0 : i32
        %dma_start3A_114 = arith.constant 0 : i32
        %dma_start3A_115 = tpu.memref_slice %arg6[%dma_start3A_112, %dma_start3A_113, %dma_start3A_114] : memref<4x4x4096xf32, #tpu.memory_space<vmem>> -> memref<1x4x4096xf32, #tpu.memory_space<vmem>>
        %dma_start3A_116 = tpu.memref_squeeze %dma_start3A_115 : memref<1x4x4096xf32, #tpu.memory_space<vmem>> -> memref<4x4096xf32, #tpu.memory_space<vmem>>
        %dma_start3A_117 = arith.constant 0 : i32
        %dma_start3A_118 = tpu.memref_slice %arg5[%add3A_111, %dma_start3A_117] : memref<128x4xi32, #tpu.memory_space<vmem>> -> memref<1x4xi32, #tpu.memory_space<vmem>>
        %dma_start3A_119 = tpu.memref_squeeze %dma_start3A_118 : memref<1x4xi32, #tpu.memory_space<vmem>> -> memref<4xi32, #tpu.memory_space<vmem>>
        %dma_start3A_120 = arith.constant 0 : i32
        %dma_start3A_121 = arith.constant 0 : i32
        %dma_start3A_122 = tpu.memref_slice %arg3[%dma_start3A_120, %dma_start3A_121] : memref<32768x4096xf32, #tpu.memory_space<hbm>> -> memref<32768x4096xf32, #tpu.memory_space<hbm>>
        tpu.enqueue_indirect_dma source(%dma_start3A_122 : memref<32768x4096xf32, #tpu.memory_space<hbm>>) target(%dma_start3A_116 : memref<4x4096xf32, #tpu.memory_space<vmem>>) offsets(%dma_start3A_119 : memref<4xi32, #tpu.memory_space<vmem>>) semaphore(%arg7 : memref<!tpu.dma_semaphore, #tpu.memory_space<semaphore_mem>>)
      } else {
      }
      %add3A_90 = arith.constant 3 : i32
      %add3A_91 = arith.addi %mul3A_33, %add3A_90 : i32
      %dma_wait3A_92 = arith.constant 3 : i32
      %dma_wait3A_93 = arith.constant 0 : i32
      %dma_wait3A_94 = arith.constant 0 : i32
      %dma_wait3A_95 = tpu.memref_slice %arg6[%dma_wait3A_92, %dma_wait3A_93, %dma_wait3A_94] : memref<4x4x4096xf32, #tpu.memory_space<vmem>> -> memref<1x4x4096xf32, #tpu.memory_space<vmem>>
      %dma_wait3A_96 = tpu.memref_squeeze %dma_wait3A_95 : memref<1x4x4096xf32, #tpu.memory_space<vmem>> -> memref<4x4096xf32, #tpu.memory_space<vmem>>
      %dma_wait3A_97 = arith.constant 0 : i32
      %dma_wait3A_98 = tpu.memref_slice %arg5[%add3A_91, %dma_wait3A_97] : memref<128x4xi32, #tpu.memory_space<vmem>> -> memref<1x4xi32, #tpu.memory_space<vmem>>
      %dma_wait3A_99 = tpu.memref_squeeze %dma_wait3A_98 : memref<1x4xi32, #tpu.memory_space<vmem>> -> memref<4xi32, #tpu.memory_space<vmem>>
      %dma_wait3A_100 = arith.constant 0 : i32
      %dma_wait3A_101 = arith.constant 0 : i32
      %dma_wait3A_102 = tpu.memref_slice %arg3[%dma_wait3A_100, %dma_wait3A_101] : memref<32768x4096xf32, #tpu.memory_space<hbm>> -> memref<32768x4096xf32, #tpu.memory_space<hbm>>
      tpu.wait_indirect_dma semaphore(%arg10 : memref<!tpu.dma_semaphore, #tpu.memory_space<semaphore_mem>>) src(%dma_wait3A_102 : memref<32768x4096xf32, #tpu.memory_space<hbm>>) dst(%dma_wait3A_96 : memref<4x4096xf32, #tpu.memory_space<vmem>>)
      %add3A_103 = arith.constant 2 : i32
      %add3A_104 = arith.addi %add3A_91, %add3A_103 : i32
      %lt3A_105 = arith.constant 128 : i32
      %lt3A_106 = arith.cmpi slt, %add3A_104, %lt3A_105 : i32
      %convert_element_type3A_107 = arith.extui %lt3A_106 : i1 to i32
      %cond3A_108 = arith.constant 0 : i32
      %cond3A_109 = arith.cmpi ne, %convert_element_type3A_107, %cond3A_108 : i32
      scf.if %cond3A_109 {
        %add3A_110 = arith.constant 2 : i32
        %add3A_111 = arith.addi %add3A_91, %add3A_110 : i32
        %dma_start3A_112 = arith.constant 1 : i32
        %dma_start3A_113 = arith.constant 0 : i32
        %dma_start3A_114 = arith.constant 0 : i32
        %dma_start3A_115 = tpu.memref_slice %arg6[%dma_start3A_112, %dma_start3A_113, %dma_start3A_114] : memref<4x4x4096xf32, #tpu.memory_space<vmem>> -> memref<1x4x4096xf32, #tpu.memory_space<vmem>>
        %dma_start3A_116 = tpu.memref_squeeze %dma_start3A_115 : memref<1x4x4096xf32, #tpu.memory_space<vmem>> -> memref<4x4096xf32, #tpu.memory_space<vmem>>
        %dma_start3A_117 = arith.constant 0 : i32
        %dma_start3A_118 = tpu.memref_slice %arg5[%add3A_111, %dma_start3A_117] : memref<128x4xi32, #tpu.memory_space<vmem>> -> memref<1x4xi32, #tpu.memory_space<vmem>>
        %dma_start3A_119 = tpu.memref_squeeze %dma_start3A_118 : memref<1x4xi32, #tpu.memory_space<vmem>> -> memref<4xi32, #tpu.memory_space<vmem>>
        %dma_start3A_120 = arith.constant 0 : i32
        %dma_start3A_121 = arith.constant 0 : i32
        %dma_start3A_122 = tpu.memref_slice %arg3[%dma_start3A_120, %dma_start3A_121] : memref<32768x4096xf32, #tpu.memory_space<hbm>> -> memref<32768x4096xf32, #tpu.memory_space<hbm>>
        tpu.enqueue_indirect_dma source(%dma_start3A_122 : memref<32768x4096xf32, #tpu.memory_space<hbm>>) target(%dma_start3A_116 : memref<4x4096xf32, #tpu.memory_space<vmem>>) offsets(%dma_start3A_119 : memref<4xi32, #tpu.memory_space<vmem>>) semaphore(%arg8 : memref<!tpu.dma_semaphore, #tpu.memory_space<semaphore_mem>>)
      } else {
      }
    }
    %scan3A_30 = arith.constant 32 : i32
    %run_scoped3A = arith.constant 0 : i32
    "tpu.region"() ({
      %run_scoped3A_31 = tpu.sem_alloc : memref<!tpu.dma_semaphore, #tpu.memory_space<semaphore_mem>>
      %dma_start3A_32 = arith.constant 0 : i32
      %dma_start3A_33 = arith.constant 0 : i32
      %dma_start3A_34 = tpu.memref_slice %arg6[%run_scoped3A, %dma_start3A_32, %dma_start3A_33] : memref<4x4x4096xf32, #tpu.memory_space<vmem>> -> memref<1x4x4096xf32, #tpu.memory_space<vmem>>
      %dma_start3A_35 = tpu.memref_squeeze %dma_start3A_34 : memref<1x4x4096xf32, #tpu.memory_space<vmem>> -> memref<4x4096xf32, #tpu.memory_space<vmem>>
      %dma_start3A_36 = arith.constant 0 : i32
      %dma_start3A_37 = tpu.memref_slice %arg4[%mul3A_2, %dma_start3A_36] : memref<16384x4096xf32, #tpu.memory_space<hbm>> -> memref<4x4096xf32, #tpu.memory_space<hbm>>
      %dma_start3A_38 = arith.constant 0 : i32
      %dma_start3A_39 = tpu.memref_slice %arg4[%mul3A_2, %dma_start3A_38] : memref<16384x4096xf32, #tpu.memory_space<hbm>> -> memref<4x4096xf32, #tpu.memory_space<hbm>>
      %dma_start3A_40 = arith.constant 0 : i32
      %dma_start3A_41 = arith.constant 0 : i32
      %dma_start3A_42 = tpu.memref_slice %arg6[%run_scoped3A, %dma_start3A_40, %dma_start3A_41] : memref<4x4x4096xf32, #tpu.memory_space<vmem>> -> memref<1x4x4096xf32, #tpu.memory_space<vmem>>
      %dma_start3A_43 = tpu.memref_squeeze %dma_start3A_42 : memref<1x4x4096xf32, #tpu.memory_space<vmem>> -> memref<4x4096xf32, #tpu.memory_space<vmem>>
      tpu.enqueue_dma source(%dma_start3A_43 : memref<4x4096xf32, #tpu.memory_space<vmem>>) target(%dma_start3A_39 : memref<4x4096xf32, #tpu.memory_space<hbm>>) target_semaphore(%run_scoped3A_31 : memref<!tpu.dma_semaphore, #tpu.memory_space<semaphore_mem>>)
      %dma_wait3A = arith.constant 0 : i32
      %dma_wait3A_44 = arith.constant 0 : i32
      %dma_wait3A_45 = tpu.memref_slice %arg6[%run_scoped3A, %dma_wait3A, %dma_wait3A_44] : memref<4x4x4096xf32, #tpu.memory_space<vmem>> -> memref<1x4x4096xf32, #tpu.memory_space<vmem>>
      %dma_wait3A_46 = tpu.memref_squeeze %dma_wait3A_45 : memref<1x4x4096xf32, #tpu.memory_space<vmem>> -> memref<4x4096xf32, #tpu.memory_space<vmem>>
      %dma_wait3A_47 = arith.constant 0 : i32
      %dma_wait3A_48 = tpu.memref_slice %arg4[%mul3A_2, %dma_wait3A_47] : memref<16384x4096xf32, #tpu.memory_space<hbm>> -> memref<4x4096xf32, #tpu.memory_space<hbm>>
      %dma_wait3A_49 = arith.constant 0 : i32
      %dma_wait3A_50 = tpu.memref_slice %arg4[%mul3A_2, %dma_wait3A_49] : memref<16384x4096xf32, #tpu.memory_space<hbm>> -> memref<4x4096xf32, #tpu.memory_space<hbm>>
      %dma_wait3A_51 = arith.constant 0 : i32
      %dma_wait3A_52 = arith.constant 0 : i32
      %dma_wait3A_53 = tpu.memref_slice %arg6[%run_scoped3A, %dma_wait3A_51, %dma_wait3A_52] : memref<4x4x4096xf32, #tpu.memory_space<vmem>> -> memref<1x4x4096xf32, #tpu.memory_space<vmem>>
      %dma_wait3A_54 = tpu.memref_squeeze %dma_wait3A_53 : memref<1x4x4096xf32, #tpu.memory_space<vmem>> -> memref<4x4096xf32, #tpu.memory_space<vmem>>
      tpu.wait_dma2 semaphore(%run_scoped3A_31 : memref<!tpu.dma_semaphore, #tpu.memory_space<semaphore_mem>>) src(%dma_wait3A_54 : memref<4x4096xf32, #tpu.memory_space<vmem>>) dst(%dma_wait3A_50 : memref<4x4096xf32, #tpu.memory_space<hbm>>)
      tpu.yield
    }) : () -> ()
    return
  }
}

</mosaic_0001>

<sc_bundles>
// kernel: kernel.3.cloned.1.call-start
scs
__scs_entry_jumppad:
0x0: {  	(pc) =	sbr.rel $0x88, $3  }
0x1: {  	(tag) =	ssettag $0x0;
	lr =	simm.s32 $0x1  }
0x2: {  	[smem:$0x3F9F] =	sst lr;
	_ =	strace $0xD0000000  }
0x3: {  	_ = 	snop  }
0x4: {  	_ = 	snop  }
0x5: {  	_ = 	snop  }
0x6: {  	_ = 	snop  }
0x7: {  	_ = 	snop  }
__scs_overlays_trampoline_lowered:
0x8: {  	[smem:$0x3FAE] =	sst s0  }
0x9: {  	[smem:$0x3FAF] =	sst s1  }
0xa: {  	[smem:$0x3FB0] =	sst s2  }
0xb: {  	[smem:$0x3FB1] =	sst s3  }
0xc: {  	[smem:$0x3FB2] =	sst s4  }
0xd: {  	[smem:$0x3FB3] =	sst s5  }
0xe: {  	[smem:$0x3FB4] =	sst s6  }
0xf: {  	[smem:$0x3FB5] =	sst s7  }
0x10: {  	[smem:$0x3FB6] =	sst s8  }
0x11: {  	[smem:$0x3FB7] =	sst s9;
	s0 =	simm.s32 @!p0 $0x0  }
0x12: {  	s1 =	sld [smem:$0x3F9D];
	s0 =	simm.s32 @p0 $0x1  }
0x13: {  	[smem:$0x3FB8] =	sst s0;
	s0 =	simm.s32 @!p1 $0x0  }
0x14: {  	s2 =	sld [smem:$0x3F9C];
	s0 =	simm.s32 @p1 $0x1  }
0x15: {  	[smem:$0x3FB9] =	sst s0;
	s0 =	simm.s32 @!p2 $0x0  }
0x16: {  	s3 =	sld [smem:$0x3FDB];
	s0 =	simm.s32 @p2 $0x1  }
0x17: {  	s4 =	simm.s32 $0x1BF5;
	[smem:$0x3FBB] =	sst s0  }
0x18: {  	s0 =	sld [smem:$0x3F9E];
	_ =	swait.ge [sflag:s4], $0x0  }
0x19: {  	s7 =	sld [smem:$0x3F9F]  }
0x1a: {  	s8 =	sadd.s32 $0xFFFFE003, lr  }
0x1b: {  	s9 =	sadd.s32 $0xFFFFFEF7, lr;
	s5 =	simm.s32 $0xFFFFFFFF;
	p2 =	slt.u32 s8, $0xFFFFF086  }
0x1c: {  	p1 =	slt.u32 s9, $0xF7A;
	s5 =	simm.s32 @!p2 $0x0  }
0x1d: {  	s5 =	simm.s32 @p1 $0x1;
	p0 =	seq.s32 s7, s2  }
0x1e: {  	s7 =	smul.u32 @!p0 $0xF7A, s2;
	p2 =	seq.s32 @!p0 s5, $0x0  }
0x1f: {  	s9 =	smul.u32 $0xF7A, s1;
	s8 =	simm.s32 @!p0 $0x1BF5;
	p2 =	por !p2, p0  }
0x20: {  	[sflag:s8] =	ssyncset.s32 @!p0 $0xFFFFF086;
	s6 =	sadd.s32 @!p0 s3, s7;
	s7 =	simm.s32 @!p0 $0x108  }
0x21: {  	s3 =	sadd.s32 s3, s9;
	s6 =	sadd.s32 @!p0 $0x88, s6;
	s7 =	simm.s32 @p2 $0x1082  }
0x22: {  	[simem:s7], [sflag:s8] =	dma.local @!p0 [hbm:s6], $0xF7A  }
0x23: {  	s9 =	sor.u32 $0xD0000000, s2;
	s6 =	simm.s32 $0x108;
	_ =	swait.ge @!p0 [sflag:s8], $0x0  }
0x24: {  	s3 =	sadd.s32 $0x88, s3;
	s6 =	simm.s32 @!p1 $0x1082;
	[sflag:s4] =	ssyncset.s32 $0xFFFFF086  }
0x25: {  	[simem:s6], [sflag:s4] =	dma.local [hbm:s3], $0xF7A  }
0x26: {  	[smem:$0x3F9F] =	sst s1;
	(tag) =	ssettag s2;
	_ =	strace s9  }
0x27: {  	s1 =	sld [smem:$0x3FAF]  }
0x28: {  	s2 =	sld [smem:$0x3FB0]  }
0x29: {  	s4 =	sld [smem:$0x3FB2]  }
0x2a: {  	p0 =	seq.s32 s5, $0x0;
	s5 =	sld [smem:$0x3FB3]  }
0x2b: {  	s6 =	sld [smem:$0x3FB4]  }
0x2c: {  	s7 =	sld [smem:$0x3FB5]  }
0x2d: {  	s3 =	simm.s32 $0x108;
	s8 =	sld [smem:$0x3FB6]  }
0x2e: {  	s3 =	simm.s32 @!p0 $0x1082;
	s9 =	sld [smem:$0x3FB7]  }
0x2f: {  	lr =	sadd.s32 s0, s3;
	s0 =	sld [smem:$0x3FAE]  }
0x30: {  	s3 =	sld [smem:$0x3FB1]  }
0x31: {  	[smem:$0x3FBA] =	sst s10  }
0x32: {  	s10 =	sld [smem:$0x3FB8];
	_ =	sdelay $0x3  }
0x33: {  	p0 =	seq.s32 s10, $0x1;
	s10 =	sld [smem:$0x3FBA];
	_ =	sdelay $0x3  }
0x34: {  	[smem:$0x3FBA] =	sst s10  }
0x35: {  	s10 =	sld [smem:$0x3FB9];
	_ =	sdelay $0x3  }
0x36: {  	p1 =	seq.s32 s10, $0x1;
	s10 =	sld [smem:$0x3FBA];
	_ =	sdelay $0x3  }
0x37: {  	[smem:$0x3FBA] =	sst s10  }
0x38: {  	s10 =	sld [smem:$0x3FBB]  }
0x39: {  	_ = 	snop;
	(pc) =	sbr.ind lr, $3  }
0x3a: {  	_ = 	snop  }
0x3b: {  	_ = 	snop  }
0x3c: {  	p2 =	seq.s32 s10, $0x1;
	s10 =	sld [smem:$0x3FBA]  }
0x3d: {  	_ =	shalt  }
0x3e: {  	_ =	shalt  }
0x3f: {  	_ =	shalt  }
0x40: {  	_ =	shalt  }
0x41: {  	_ =	shalt  }
0x42: {  	_ =	shalt  }
0x43: {  	_ =	shalt  }
0x44: {  	_ =	shalt  }
0x45: {  	_ =	shalt  }
0x46: {  	_ =	shalt  }
0x47: {  	_ =	shalt  }
0x48: {  	_ =	shalt  }
0x49: {  	_ =	shalt  }
0x4a: {  	_ =	shalt  }
0x4b: {  	_ =	shalt  }
0x4c: {  	_ =	shalt  }
0x4d: {  	_ =	shalt  }
0x4e: {  	_ =	shalt  }
0x4f: {  	_ =	shalt  }
0x50: {  	_ =	shalt  }
0x51: {  	_ =	shalt  }
0x52: {  	_ =	shalt  }
0x53: {  	_ =	shalt  }
0x54: {  	_ =	shalt  }
0x55: {  	_ =	shalt  }
0x56: {  	_ =	shalt  }
0x57: {  	_ =	shalt  }
0x58: {  	_ =	shalt  }
0x59: {  	_ =	shalt  }
0x5a: {  	_ =	shalt  }
0x5b: {  	_ =	shalt  }
0x5c: {  	_ =	shalt  }
0x5d: {  	_ =	shalt  }
0x5e: {  	_ =	shalt  }
0x5f: {  	_ =	shalt  }
0x60: {  	_ =	shalt  }
0x61: {  	_ =	shalt  }
0x62: {  	_ =	shalt  }
0x63: {  	_ =	shalt  }
0x64: {  	_ =	shalt  }
0x65: {  	_ =	shalt  }
0x66: {  	_ =	shalt  }
0x67: {  	_ =	shalt  }
0x68: {  	_ =	shalt  }
0x69: {  	_ =	shalt  }
0x6a: {  	_ =	shalt  }
0x6b: {  	_ =	shalt  }
0x6c: {  	_ =	shalt  }
0x6d: {  	_ =	shalt  }
0x6e: {  	_ =	shalt  }
0x6f: {  	_ =	shalt  }
0x70: {  	_ =	shalt  }
0x71: {  	_ =	shalt  }
0x72: {  	_ =	shalt  }
0x73: {  	_ =	shalt  }
0x74: {  	_ =	shalt  }
0x75: {  	_ =	shalt  }
0x76: {  	_ =	shalt  }
0x77: {  	_ =	shalt  }
0x78: {  	_ =	shalt  }
0x79: {  	_ =	shalt  }
0x7a: {  	_ =	shalt  }
0x7b: {  	_ =	shalt  }
0x7c: {  	_ =	shalt  }
0x7d: {  	_ =	shalt  }
0x7e: {  	_ =	shalt  }
0x7f: {  	_ =	shalt  }
0x80: {  	_ =	shalt  }
0x81: {  	_ =	shalt  }
0x82: {  	_ =	shalt  }
0x83: {  	_ =	shalt  }
0x84: {  	_ =	shalt  }
0x85: {  	_ =	shalt  }
0x86: {  	_ =	shalt  }
0x87: {  	_ =	shalt  }
.Lfunc_end0:
.L_simem_size_0:
called_computation_lowered:
.L_overlay_start_0:
0x88: {  	s2 =	sld [smem:$0x3FD9]  }
0x89: {  	s3 =	sld [smem:$0x3FFE];
	_ =	sdelay $0x1  }
0x8a: {  	s1 =	srdreg.scid  }
0x8b: {  	s0 =	sand.u32 $0x1, s1  }
0x8c: {  	s17 =	sshll.u32 s0, $0xA;
	s2 =	sadd.s32 s3, s2  }
0x8d: {  	s2 =	sadd.s32 s2, s17  }
0x8e: {  	[smem:$0x3FC6] =	sst s2  }
0x8f: {  	_ = 	snop  }
0x90: {  	s2 =	sld [smem:$0x3FC8]  }
0x91: {  	s18 =	sld [smem:$0x3FD0];
	(tm) =	ssettm $0x1  }
0x92: {  	s4 =	sld [smem:$0x3FFB];
	_ =	sdelay $0x3  }
0x93: {  	_ =	strace s4  }
0x94: {  	s4 =	sld [smem:$0x3FFC];
	_ =	sdelay $0x3  }
0x95: {  	_ =	strace s4  }
0x96: {  	s4 =	sld [smem:$0x3FFD];
	_ =	sdelay $0x3  }
0x97: {  	_ =	strace s4  }
0x98: {  	_ =	strace $0x8FFFFFFF  }
0x99: {  	s19 =	sld [smem:$0x3FDB];
	_ =	sdelay $0x1  }
0x9a: {  	s5 =	simm.s32 $_scs_section_size  }
0x9b: {  	s6 =	simm.s32 $_size__tile_overlayer_lowered;
	s7 =	simm.s32 $_tile_overlayer_lowered  }
0x9c: {  	s22 =	simm.s32 $0x1BFF;
	s21 =	sshll.u32 s7, $0x1;
	s4 =	sadd.s32 s5, s19  }
0x9d: {  	s8 =	simm.s32 $0x0;
	s20 =	sshll.u32 s6, $0x1;
	s6 =	sadd.s32 s21, s4  }
0x9e: {  	[timem:s8], [sflag:s22] =	dma.local [hbm:s6], s20  }
0x9f: {  	_ =	swait.ge [sflag:s22], s20  }
0xa0: {  	s5 =	ssub.s32 $0x0, s20;
	[sflag:s22] =	ssyncset.done $0x0  }
0xa1: {  	[sflag:s22] =	ssyncadd.s32 s5;
	_ =	sdelay $0x1  }
0xa2: {  	s23 =	simm.s32 $0x1B8B  }
0xa3: {  	_ =	swait.ge [sflag:s23], $0x1  }
0xa4: {  	[sflag:s23] =	ssyncset.done $0x0  }
0xa5: {  	s25 =	simm.s32 $0x1B8E;
	s24 =	sld [smem:$0x3FFE];
	[sflag:s23] =	ssyncadd.s32 $0xFFFFFFFF  }
0xa6: {  	s26 =	simm.s32 $execute0_lowered;
	[smem:$0x3FD2] =	sst s25  }
0xa7: {  	s6 =	sshll.u32 s26, $0x1;
	_ =	strace $0x80000046;
	[dreg:$0x1] =	wrdreg $0xFFFFFFFF  }
0xa8: {  	s28 =	simm.s32 $_size_execute0_lowered;
	s4 =	sadd.s32 s4, s6;
	[dreg:$0x0] =	wrdreg $0x0  }
0xa9: {  	s6 =	sshll.u32 s28, $0x1;
	[dreg:$0x2] =	wrdreg s4  }
0xaa: {  	[dreg:$0x3] =	wrdreg s6  }
0xab: {  	[dreg:$0x4] =	wrdreg $0xC0  }
0xac: {  	_ =	task [dreg:s8], $0x5FFFF  }
0xad: {  	[dreg:$0x1] =	wrdreg $0xFFFFFFFF  }
0xae: {  	[dreg:$0x0] =	wrdreg $0x60  }
0xaf: {  	[dreg:$0x2] =	wrdreg s24  }
0xb0: {  	[dreg:$0x3] =	wrdreg s2  }
0xb1: {  	[dreg:$0x4] =	wrdreg s18  }
0xb2: {  	[dreg:$0x5] =	wrdreg $0x9  }
0xb3: {  	_ =	task.clear_ibuf [dreg:s8], $0x6FFFF;
	_ =	strace $0x90000046  }
0xb4: {  	s29 =	simm.s32 $0x9;
	_ =	strace $0x80000048  }
0xb5: {  	_ =	swait.ge [sflag:s29], $0x1  }
0xb6: {  	[sflag:s29] =	ssyncadd.s32 $0xFFFFFFFF  }
0xb7: {  	_ =	strace $0x90000048  }
0xb8: {  	_ =	sfence  }
0xb9: {  	s30 =	sld [smem:$0x0];
	_ =	sdelay $0x2  }
0xba: {  	s31 =	sshll.u32 s1, $0xD;
	s1 =	sshrl.u32 s1, $0x2  }
0xbb: {  	s3 =	sand.u32 $0x4000, s31;
	s1 =	sadd.s32 s1, s30  }
0xbc: {  	s0 =	sor.u32 s3, s0;
	s1 =	sshll.u32 s1, $0x11  }
0xbd: {  	s0 =	sor.u32 s1, s0  }
0xbe: {  	s0 =	sadd.s32 $0x8F2B, s0  }
0xbf: {  	[sflag:s0] =	ssyncadd.remote.s32 $0x1  }
0xc0: {  	_ =	sfence.sel $0xFFFF  }
0xc1: {  	[dreg:$0x0] =	wrdreg $0xFFFFFFFF;
	(pc) =	sbr.abs _section_cstart, $3  }
0xc2: {  	[dreg:$0x1] =	wrdreg $0xFFFFFFFF  }
0xc3: {  	_ =	task.clear_ibuf [dreg:s8], $0x2FFFF;
	_ =	strace $0x9FFFFFFF  }
0xc4: {  	(tm) =	ssettm $0x7FFFFFFF  }
0xc5: {  	_ =	shalt  }
tec
execute0_lowered:
.L_overlay_start_1:
0x0: {  	(tag) =	ssettag $0x1  }
0x1: {  	s0 =	rddreg [dreg:$0x0]  }
0x2: {  	s2 =	rddreg [dreg:$0x1]  }
0x3: {  	s1 =	rddreg [dreg:$0x2];
	s3 =	srdreg.scid  }
0x4: {  	s5 =	stileid.u32;
	s31 =	simm.s32 $0x5;
	s13 =	simm.s32 $0xD800  }
0x5: {  	s14 =	simm.s32 $0xE000;
	s16 =	simm.s32 $0xE800;
	s17 =	simm.s32 $0xF000  }
0x6: {  	s18 =	simm.s32 $0xF800;
	s19 =	simm.s32 $0x2;
	s20 =	simm.s32 $0x10000  }
0x7: {  	s15 =	simm.s32 $0x10800;
	s21 =	simm.s32 $0x11000;
	s22 =	simm.s32 $0x11800  }
0x8: {  	s23 =	simm.s32 $0x12000;
	s24 =	simm.s32 $0x12800;
	s25 =	simm.s32 $0x13000  }
0x9: {  	s28 =	simm.s32 $0x3;
	s29 =	simm.s32 $0x4;
	s4 =	sand.u32 $0x1, s3  }
0xa: {  	s5 =	sshll.u32 s5, $0x1;
	s3 =	simm.s32 $0x0;
	s7 =	sadd.s32 $0x600, s2  }
0xb: {  	s8 =	sadd.s32 $0x800, s2;
	s9 =	sadd.s32 $0xA00, s2;
	s10 =	sadd.s32 $0xC00, s2  }
0xc: {  	s11 =	sadd.s32 $0xE00, s2;
	s12 =	sor.u32 s4, s5;
	s4 =	ssub.s32 $0x2, s4  }
0xd: {  	[smem:$0x7FF] =	sst s3;
	s5 =	sshll.u32 s12, $0xB;
	s6 =	sshrl.u32 s4, $0x1  }
0xe: {  	_ =	strace $0x80000047;
	s26 =	sshll.u32 s12, $0x12;
	s12 =	simm.s32 $0xD000  }
.Ltmp0:
0xf: {  	s0 =	sadd.s32 s5, s0;
	s4 =	ssub.s32 s4, s6;
	(pc) =	sbr.rel .LBB2_1-.Ltmp0, $4  }
0x10: {  	s5 =	sadd.s32 $0x200, s2;
	s6 =	sadd.s32 $0x400, s2;
	s0 =	sadd.s32 $0x400, s0  }
0x11: {  	v0 =	vlaneseq.u32;
	s30 =	smax.u32 s4, $0x1;
	s4 =	simm.s32 $0x4000;
	[dreg:$0x4] =	wrdreg s0  }
0x12: {  	v1 =	vshrl.u32 v0, $0x2;
	s0 =	sadd.s32 s1, s26;
	[dreg:$0x6] =	wrdreg s30;
	s26 =	simm.s32 $0x13800  }
0x13: {  	vm0 =	vmmov $0xffff;
	v0 =	vand.u32 $0x3, v0;
	v1 =	vmul.u32 $0x8, v1;
	s1 =	simm.s32 $0x0;
	[dreg:$0x5] =	wrdreg s0;
	s0 =	simm.s32 $0x1  }
.LBB2_4:
0x14: {  	_ =	swait.ge [sflag:s29], $0x4000  }
0x15: {  	s31 =	simm.s32 $0x4000;
	s1 =	simm.s32 $0x200;
	[sflag:s29] =	ssyncset.done $0x0  }
0x16: {  	s4 =	simm.s32 $0x400;
	s30 =	rddreg [dreg:$0x5];
	[sflag:s29] =	ssyncadd.s32 $0xFFFFC000  }
0x17: {  	[hbm4b:s30+s1] =	stream.strided.scatter [tilespmem:s31], [sflag:$0x5], $0x4000, s4, s1, $0x38;
	[tilespmem:$0x14000] =	vst v63  }
0x18: {  	s31 =	simm.s32 $0x5  }
0x19: {  	_ =	swait.ge [sflag:s31], $0x4000  }
0x1a: {  	s30 =	rddreg [dreg:$0x7]  }
0x1b: {  	s1 =	sadd.s32 $0x1, s30;
	s30 =	rddreg [dreg:$0x6]  }
0x1c: {  	p0 =	sne.s32 s1, s30  }
.Ltmp1:
0x1d: {  	_ = 	snop;
	(pc) =	sbr.rel @!p0 .LBB2_5-.Ltmp1, $3  }
0x1e: {  	_ =	sdelay $0x1  }
0x1f: {  	[sflag:s31] =	ssyncset.done $0x0  }
0x20: {  	s4 =	simm.s32 $0x4000;
	[sflag:s31] =	ssyncadd.s32 $0xFFFFC000  }
.LBB2_1:
0x21: {  	[dreg:$0x7] =	wrdreg s1  }
0x22: {  	s30 =	rddreg [dreg:$0x4]  }
0x23: {  	[tilespmem:s3], [sflag:$0x5] =	stream.linear.gather [hbm4b:s30+s3], $0x4000, $0x38;
	[tilespmem:$0x14000] =	vst v63  }
0x24: {  	_ =	swait.ge [sflag:s31], $0x4000  }
0x25: {  	[sflag:s31] =	ssyncset.done $0x0  }
0x26: {  	[sflag:s31] =	ssyncadd.s32 $0xFFFFC000  }
0x27: {  	v2 =	vld.msk [tilespmem:$0x0], $0xf;
	_ =	sdelay $0x4  }
0x28: {  	v3 =	vshll.u32 v2, $0x5  }
0x29: {  	v2 =	vand.u32 $0x7, v2;
	v3 =	vand.u32 $0xFFFFFF00, v3  }
0x2a: {  	v2 =	vor.u32 v2, v3  }
0x2b: {  	v2 =	vperm.xlane v2, v0;
	_ =	sdelay $0x1  }
0x2c: {  	v2 =	vadd.s32 v1, v2;
	_ =	sdelay $0x4  }
0x2d: {  	[tilespmem:s4], [sflag:$0x1] =	stream.indirect_vreg.gather [hbm4b:s2+s3], $0x80, v2, vm0, $0xb8;
	[tilespmem:$0x14000] =	vst v63  }
0x2e: {  	s30 =	simm.s32 $0x4800  }
0x2f: {  	[tilespmem:s30], [sflag:$0x1] =	stream.indirect_vreg.gather [hbm4b:s5+s3], $0x80, v2, vm0, $0xb8;
	[tilespmem:$0x14000] =	vst v63  }
0x30: {  	s31 =	simm.s32 $0x5000  }
0x31: {  	[tilespmem:s31], [sflag:$0x1] =	stream.indirect_vreg.gather [hbm4b:s6+s3], $0x80, v2, vm0, $0xb8;
	[tilespmem:$0x14000] =	vst v63  }
0x32: {  	s31 =	simm.s32 $0x5800  }
0x33: {  	[tilespmem:s31], [sflag:$0x1] =	stream.indirect_vreg.gather [hbm4b:s7+s3], $0x80, v2, vm0, $0xb8;
	[tilespmem:$0x14000] =	vst v63  }
0x34: {  	s31 =	simm.s32 $0x6000  }
0x35: {  	[tilespmem:s31], [sflag:$0x1] =	stream.indirect_vreg.gather [hbm4b:s8+s3], $0x80, v2, vm0, $0xb8;
	[tilespmem:$0x14000] =	vst v63  }
0x36: {  	s31 =	simm.s32 $0x6800  }
0x37: {  	[tilespmem:s31], [sflag:$0x1] =	stream.indirect_vreg.gather [hbm4b:s9+s3], $0x80, v2, vm0, $0xb8;
	[tilespmem:$0x14000] =	vst v63  }
0x38: {  	s31 =	simm.s32 $0x7000  }
0x39: {  	[tilespmem:s31], [sflag:$0x1] =	stream.indirect_vreg.gather [hbm4b:s10+s3], $0x80, v2, vm0, $0xb8;
	[tilespmem:$0x14000] =	vst v63  }
0x3a: {  	s31 =	simm.s32 $0x7800  }
0x3b: {  	[tilespmem:s31], [sflag:$0x1] =	stream.indirect_vreg.gather [hbm4b:s11+s3], $0x80, v2, vm0, $0xb8;
	[tilespmem:$0x14000] =	vst v63  }
0x3c: {  	v2 =	vld.msk [tilespmem:$0x80], $0xf;
	_ =	sdelay $0x4  }
0x3d: {  	v3 =	vshll.u32 v2, $0x5  }
0x3e: {  	v2 =	vand.u32 $0x7, v2;
	v3 =	vand.u32 $0xFFFFFF00, v3  }
0x3f: {  	v2 =	vor.u32 v2, v3  }
0x40: {  	v2 =	vperm.xlane v2, v0;
	_ =	sdelay $0x1  }
0x41: {  	v2 =	vadd.s32 v1, v2;
	_ =	sdelay $0x3  }
0x42: {  	s31 =	simm.s32 $0x8000  }
0x43: {  	[tilespmem:s31], [sflag:$0x2] =	stream.indirect_vreg.gather [hbm4b:s2+s3], $0x80, v2, vm0, $0xb8;
	[tilespmem:$0x14000] =	vst v63  }
0x44: {  	s31 =	simm.s32 $0x8800  }
0x45: {  	[tilespmem:s31], [sflag:$0x2] =	stream.indirect_vreg.gather [hbm4b:s5+s3], $0x80, v2, vm0, $0xb8;
	[tilespmem:$0x14000] =	vst v63  }
0x46: {  	s31 =	simm.s32 $0x9000  }
0x47: {  	[tilespmem:s31], [sflag:$0x2] =	stream.indirect_vreg.gather [hbm4b:s6+s3], $0x80, v2, vm0, $0xb8;
	[tilespmem:$0x14000] =	vst v63  }
0x48: {  	s31 =	simm.s32 $0x9800  }
0x49: {  	[tilespmem:s31], [sflag:$0x2] =	stream.indirect_vreg.gather [hbm4b:s7+s3], $0x80, v2, vm0, $0xb8;
	[tilespmem:$0x14000] =	vst v63  }
0x4a: {  	s31 =	simm.s32 $0xA000  }
0x4b: {  	[tilespmem:s31], [sflag:$0x2] =	stream.indirect_vreg.gather [hbm4b:s8+s3], $0x80, v2, vm0, $0xb8;
	[tilespmem:$0x14000] =	vst v63  }
0x4c: {  	s31 =	simm.s32 $0xA800  }
0x4d: {  	[tilespmem:s31], [sflag:$0x2] =	stream.indirect_vreg.gather [hbm4b:s9+s3], $0x80, v2, vm0, $0xb8;
	[tilespmem:$0x14000] =	vst v63  }
0x4e: {  	s31 =	simm.s32 $0xB000  }
0x4f: {  	[tilespmem:s31], [sflag:$0x2] =	stream.indirect_vreg.gather [hbm4b:s10+s3], $0x80, v2, vm0, $0xb8;
	[tilespmem:$0x14000] =	vst v63  }
0x50: {  	s1 =	simm.s32 $0x4000;
	s30 =	simm.s32 $0x0;
	s31 =	simm.s32 $0xB800  }
0x51: {  	[tilespmem:s31], [sflag:$0x2] =	stream.indirect_vreg.gather [hbm4b:s11+s3], $0x80, v2, vm0, $0xb8;
	[tilespmem:$0x14000] =	vst v63  }
.LBB2_2:
0x52: {  	_ =	swait.ge [sflag:s0], $0x4000  }
0x53: {  	[sflag:s0] =	ssyncset.done $0x0  }
0x54: {  	s31 =	sshra.s32 s30, $0x2;
	[sflag:s0] =	ssyncadd.s32 $0xFFFFC000  }
0x55: {  	v2 =	vld.msk [tilespmem:s31+$0x100], $0xf;
	_ =	sdelay $0x4  }
0x56: {  	v3 =	vshll.u32 v2, $0x5  }
0x57: {  	v2 =	vand.u32 $0x7, v2;
	v3 =	vand.u32 $0xFFFFFF00, v3  }
0x58: {  	v2 =	vor.u32 v2, v3  }
0x59: {  	v2 =	vperm.xlane v2, v0;
	_ =	sdelay $0x1  }
0x5a: {  	v2 =	vadd.s32 v1, v2;
	_ =	sdelay $0x3  }
0x5b: {  	s4 =	simm.s32 $0xC000  }
0x5c: {  	[tilespmem:s4], [sflag:$0x3] =	stream.indirect_vreg.gather [hbm4b:s2+s3], $0x80, v2, vm0, $0xb8;
	[tilespmem:$0x14000] =	vst v63  }
0x5d: {  	s4 =	simm.s32 $0xC800  }
0x5e: {  	[tilespmem:s4], [sflag:$0x3] =	stream.indirect_vreg.gather [hbm4b:s5+s3], $0x80, v2, vm0, $0xb8;
	[tilespmem:$0x14000] =	vst v63  }
0x5f: {  	_ = 	snop  }
0x60: {  	[tilespmem:s12], [sflag:$0x3] =	stream.indirect_vreg.gather [hbm4b:s6+s3], $0x80, v2, vm0, $0xb8;
	[tilespmem:$0x14000] =	vst v63  }
0x61: {  	_ = 	snop  }
0x62: {  	[tilespmem:s13], [sflag:$0x3] =	stream.indirect_vreg.gather [hbm4b:s7+s3], $0x80, v2, vm0, $0xb8;
	[tilespmem:$0x14000] =	vst v63  }
0x63: {  	_ = 	snop  }
0x64: {  	[tilespmem:s14], [sflag:$0x3] =	stream.indirect_vreg.gather [hbm4b:s8+s3], $0x80, v2, vm0, $0xb8;
	[tilespmem:$0x14000] =	vst v63  }
0x65: {  	_ = 	snop  }
0x66: {  	[tilespmem:s16], [sflag:$0x3] =	stream.indirect_vreg.gather [hbm4b:s9+s3], $0x80, v2, vm0, $0xb8;
	[tilespmem:$0x14000] =	vst v63  }
0x67: {  	_ = 	snop  }
0x68: {  	[tilespmem:s17], [sflag:$0x3] =	stream.indirect_vreg.gather [hbm4b:s10+s3], $0x80, v2, vm0, $0xb8;
	[tilespmem:$0x14000] =	vst v63  }
0x69: {  	_ = 	snop  }
0x6a: {  	[tilespmem:s18], [sflag:$0x3] =	stream.indirect_vreg.gather [hbm4b:s11+s3], $0x80, v2, vm0, $0xb8;
	[tilespmem:$0x14000] =	vst v63  }
0x6b: {  	_ =	swait.ge [sflag:s19], $0x4000  }
0x6c: {  	[sflag:s19] =	ssyncset.done $0x0  }
0x6d: {  	[sflag:s19] =	ssyncadd.s32 $0xFFFFC000  }
0x6e: {  	v2 =	vld.msk [tilespmem:s31+$0x180], $0xf;
	_ =	sdelay $0x4  }
0x6f: {  	v3 =	vshll.u32 v2, $0x5  }
0x70: {  	v2 =	vand.u32 $0x7, v2;
	v3 =	vand.u32 $0xFFFFFF00, v3  }
0x71: {  	v2 =	vor.u32 v2, v3  }
0x72: {  	v2 =	vperm.xlane v2, v0;
	_ =	sdelay $0x1  }
0x73: {  	v2 =	vadd.s32 v1, v2;
	_ =	sdelay $0x4  }
0x74: {  	[tilespmem:s20], [sflag:$0x4] =	stream.indirect_vreg.gather [hbm4b:s2+s3], $0x80, v2, vm0, $0xb8;
	[tilespmem:$0x14000] =	vst v63  }
0x75: {  	_ = 	snop  }
0x76: {  	[tilespmem:s15], [sflag:$0x4] =	stream.indirect_vreg.gather [hbm4b:s5+s3], $0x80, v2, vm0, $0xb8;
	[tilespmem:$0x14000] =	vst v63  }
0x77: {  	_ = 	snop  }
0x78: {  	[tilespmem:s21], [sflag:$0x4] =	stream.indirect_vreg.gather [hbm4b:s6+s3], $0x80, v2, vm0, $0xb8;
	[tilespmem:$0x14000] =	vst v63  }
0x79: {  	_ = 	snop  }
0x7a: {  	[tilespmem:s22], [sflag:$0x4] =	stream.indirect_vreg.gather [hbm4b:s7+s3], $0x80, v2, vm0, $0xb8;
	[tilespmem:$0x14000] =	vst v63  }
0x7b: {  	_ = 	snop  }
0x7c: {  	[tilespmem:s23], [sflag:$0x4] =	stream.indirect_vreg.gather [hbm4b:s8+s3], $0x80, v2, vm0, $0xb8;
	[tilespmem:$0x14000] =	vst v63  }
0x7d: {  	_ = 	snop  }
0x7e: {  	[tilespmem:s24], [sflag:$0x4] =	stream.indirect_vreg.gather [hbm4b:s9+s3], $0x80, v2, vm0, $0xb8;
	[tilespmem:$0x14000] =	vst v63  }
0x7f: {  	p0 =	seq.s32 s30, $0xF800  }
0x80: {  	[tilespmem:s25], [sflag:$0x4] =	stream.indirect_vreg.gather [hbm4b:s10+s3], $0x80, v2, vm0, $0xb8;
	[tilespmem:$0x14000] =	vst v63  }
.Ltmp2:
0x81: {  	_ = 	snop;
	(pc) =	sbr.rel @p0 .LBB2_4-.Ltmp2, $4  }
0x82: {  	[tilespmem:s26], [sflag:$0x4] =	stream.indirect_vreg.gather [hbm4b:s11+s3], $0x80, v2, vm0, $0xb8;
	[tilespmem:$0x14000] =	vst v63  }
0x83: {  	_ =	swait.ge [sflag:s28], $0x4000  }
0x84: {  	[sflag:s28] =	ssyncset.done $0x0  }
0x85: {  	[sflag:s28] =	ssyncadd.s32 $0xFFFFC000  }
0x86: {  	v2 =	vld.msk [tilespmem:s31+$0x200], $0xf;
	_ =	sdelay $0x4  }
0x87: {  	v3 =	vshll.u32 v2, $0x5  }
0x88: {  	v2 =	vand.u32 $0x7, v2;
	v3 =	vand.u32 $0xFFFFFF00, v3  }
0x89: {  	v2 =	vor.u32 v2, v3  }
0x8a: {  	v2 =	vperm.xlane v2, v0;
	_ =	sdelay $0x1  }
0x8b: {  	v2 =	vadd.s32 v1, v2;
	_ =	sdelay $0x4  }
0x8c: {  	[tilespmem:s1], [sflag:$0x1] =	stream.indirect_vreg.gather [hbm4b:s2+s3], $0x80, v2, vm0, $0xb8;
	[tilespmem:$0x14000] =	vst v63  }
0x8d: {  	s4 =	simm.s32 $0x4800  }
0x8e: {  	[tilespmem:s4], [sflag:$0x1] =	stream.indirect_vreg.gather [hbm4b:s5+s3], $0x80, v2, vm0, $0xb8;
	[tilespmem:$0x14000] =	vst v63  }
0x8f: {  	s4 =	simm.s32 $0x5000  }
0x90: {  	[tilespmem:s4], [sflag:$0x1] =	stream.indirect_vreg.gather [hbm4b:s6+s3], $0x80, v2, vm0, $0xb8;
	[tilespmem:$0x14000] =	vst v63  }
0x91: {  	s4 =	simm.s32 $0x5800  }
0x92: {  	[tilespmem:s4], [sflag:$0x1] =	stream.indirect_vreg.gather [hbm4b:s7+s3], $0x80, v2, vm0, $0xb8;
	[tilespmem:$0x14000] =	vst v63  }
0x93: {  	s4 =	simm.s32 $0x6000  }
0x94: {  	[tilespmem:s4], [sflag:$0x1] =	stream.indirect_vreg.gather [hbm4b:s8+s3], $0x80, v2, vm0, $0xb8;
	[tilespmem:$0x14000] =	vst v63  }
0x95: {  	s4 =	simm.s32 $0x6800  }
0x96: {  	[tilespmem:s4], [sflag:$0x1] =	stream.indirect_vreg.gather [hbm4b:s9+s3], $0x80, v2, vm0, $0xb8;
	[tilespmem:$0x14000] =	vst v63  }
0x97: {  	s4 =	simm.s32 $0x7000  }
0x98: {  	[tilespmem:s4], [sflag:$0x1] =	stream.indirect_vreg.gather [hbm4b:s10+s3], $0x80, v2, vm0, $0xb8;
	[tilespmem:$0x14000] =	vst v63  }
0x99: {  	s4 =	simm.s32 $0x7800  }
0x9a: {  	[tilespmem:s4], [sflag:$0x1] =	stream.indirect_vreg.gather [hbm4b:s11+s3], $0x80, v2, vm0, $0xb8;
	[tilespmem:$0x14000] =	vst v63  }
0x9b: {  	_ =	swait.ge [sflag:s29], $0x4000  }
0x9c: {  	[sflag:s29] =	ssyncset.done $0x0  }
0x9d: {  	[sflag:s29] =	ssyncadd.s32 $0xFFFFC000  }
0x9e: {  	v2 =	vld.msk [tilespmem:s31+$0x280], $0xf;
	_ =	sdelay $0x4  }
0x9f: {  	v3 =	vshll.u32 v2, $0x5  }
0xa0: {  	v2 =	vand.u32 $0x7, v2;
	v3 =	vand.u32 $0xFFFFFF00, v3  }
0xa1: {  	v2 =	vor.u32 v2, v3  }
0xa2: {  	v2 =	vperm.xlane v2, v0;
	_ =	sdelay $0x1  }
0xa3: {  	v2 =	vadd.s32 v1, v2;
	_ =	sdelay $0x3  }
0xa4: {  	s31 =	simm.s32 $0x8000  }
0xa5: {  	[tilespmem:s31], [sflag:$0x2] =	stream.indirect_vreg.gather [hbm4b:s2+s3], $0x80, v2, vm0, $0xb8;
	[tilespmem:$0x14000] =	vst v63  }
0xa6: {  	s31 =	simm.s32 $0x8800  }
0xa7: {  	[tilespmem:s31], [sflag:$0x2] =	stream.indirect_vreg.gather [hbm4b:s5+s3], $0x80, v2, vm0, $0xb8;
	[tilespmem:$0x14000] =	vst v63  }
0xa8: {  	s31 =	simm.s32 $0x9000  }
0xa9: {  	[tilespmem:s31], [sflag:$0x2] =	stream.indirect_vreg.gather [hbm4b:s6+s3], $0x80, v2, vm0, $0xb8;
	[tilespmem:$0x14000] =	vst v63  }
0xaa: {  	s31 =	simm.s32 $0x9800  }
0xab: {  	[tilespmem:s31], [sflag:$0x2] =	stream.indirect_vreg.gather [hbm4b:s7+s3], $0x80, v2, vm0, $0xb8;
	[tilespmem:$0x14000] =	vst v63  }
0xac: {  	s31 =	simm.s32 $0xA000  }
0xad: {  	[tilespmem:s31], [sflag:$0x2] =	stream.indirect_vreg.gather [hbm4b:s8+s3], $0x80, v2, vm0, $0xb8;
	[tilespmem:$0x14000] =	vst v63  }
0xae: {  	s31 =	simm.s32 $0xA800  }
0xaf: {  	[tilespmem:s31], [sflag:$0x2] =	stream.indirect_vreg.gather [hbm4b:s9+s3], $0x80, v2, vm0, $0xb8;
	[tilespmem:$0x14000] =	vst v63  }
.Ltmp3:
0xb0: {  	_ = 	snop;
	(pc) =	sbr.rel .LBB2_2-.Ltmp3, $4  }
0xb1: {  	s31 =	simm.s32 $0xB000  }
0xb2: {  	[tilespmem:s31], [sflag:$0x2] =	stream.indirect_vreg.gather [hbm4b:s10+s3], $0x80, v2, vm0, $0xb8;
	[tilespmem:$0x14000] =	vst v63  }
0xb3: {  	s30 =	sadd.s32 $0x800, s30;
	s31 =	simm.s32 $0xB800  }
0xb4: {  	[tilespmem:s31], [sflag:$0x2] =	stream.indirect_vreg.gather [hbm4b:s11+s3], $0x80, v2, vm0, $0xb8;
	[tilespmem:$0x14000] =	vst v63  }
.LBB2_5:
0xb5: {  	_ =	sfence.sel $0x180000  }
0xb6: {  	[bflag:$0x0] =	sbarrier.arrive $0xFFFF  }
0xb7: {  	_ =	strace $0x90000047  }
0xb8: {  	s0 =	stileid.u32;
	[bflag:$0x2] =	sbarrier.arrive $0xFFFF  }
0xb9: {  	p0 =	sne.s32 s0, $0x0;
	s0 =	rddreg [dreg:$0x3]  }
0xba: {  	s0 =	sadd.s32 @!p0 $0x100000, s0  }
0xbb: {  	[sflag:s0] =	ssyncadd.tile.s32 @!p0 $0x1;
	_ =	shalt  }
.Lfunc_end2:
_tile_overlayer_lowered:
.L_overlay_start_2:
0xbc: {  	(tag) =	ssettag $0x2  }
0xbd: {  	s0 =	rddreg [dreg:$0x0];
	s2 =	stileid.u32  }
0xbe: {  	s1 =	rddreg [dreg:$0x1];
	p0 =	sne.s32 s2, $0x0  }
0xbf: {  	s3 =	rddreg [dreg:$0x2];
	[bflag:$0x3] =	sbarrier.arrive $0xFFFF;
	s2 =	simm.s32 @!p0 $0x1C05  }
0xc0: {  	[timem:s3], [sflag:s2] =	dma.local @!p0 [hbm:s0], s1  }
0xc1: {  	s0 =	simm.s32 @!p0 $0x5  }
0xc2: {  	_ =	swait.ge @!p0 [sflag:s0], s1  }
0xc3: {  	s1 =	ssub.s32 @!p0 $0x0, s1;
	[sflag:s0] =	ssyncset.done @!p0 $0x0  }
0xc4: {  	[sflag:s0] =	ssyncadd.s32 @!p0 s1  }
0xc5: {  	[bflag:$0x3] =	sbarrier.arrive $0xFFFF  }
0xc6: {  	_ =	shalt  }

</sc_bundles>
